<compile_context>
chip_gen: v7x
topology: tpu7x:2x2x1
jax: 0.10.2.dev20260603
libtpu: 0.0.44.dev20260713+nightly
codegen_flags: <defaults>
</compile_context>

<pallas_src>
import functools

import jax
import jax.numpy as jnp
from jax import lax
from jax.experimental import pallas as pl
from jax.experimental.pallas import tpu as pltpu
from jax.experimental.pallas import tpu_sc as plsc

N, P, C = 4, 8192, 1024
R = N * P
NW = 32
RPW = R // NW
CH = 16
NCH = RPW // CH
VPR = C // 16


def _body(x_hbm, idx_hbm, mask_hbm, out_hbm, idx_v, gat_v, x_v, m_v, sem):
    wid = lax.axis_index("s") * 2 + lax.axis_index("c")
    pltpu.sync_copy(idx_hbm.at[wid], idx_v)

    def chunk(ch, _):
        base = wid * RPW + ch * CH
        gcp = pltpu.async_copy(x_hbm.at[idx_v.at[ch]], gat_v, sem)
        pltpu.sync_copy(x_hbm.at[pl.ds(base, CH)], x_v)
        pltpu.sync_copy(mask_hbm.at[pl.ds(base, CH)], m_v)
        gcp.wait()

        def row(r, _):
            def col(v, _):
                c = v * 16
                m = m_v[r, pl.ds(c, 16)]
                g = gat_v[r, pl.ds(c, 16)]
                xv = x_v[r, pl.ds(c, 16)]
                x_v[r, pl.ds(c, 16)] = jnp.where(m != 0, g, xv)
                return 0

            return lax.fori_loop(0, VPR, col, 0)

        lax.fori_loop(0, CH, row, 0)
        pltpu.sync_copy(x_v, out_hbm.at[pl.ds(base, CH)])
        return 0

    lax.fori_loop(0, NCH, chunk, 0)


@jax.jit
def _run(x_flat, idx_w, mask_i32):
    mesh = plsc.VectorSubcoreMesh(core_axis_name="c", subcore_axis_name="s")
    k = functools.partial(
        pl.kernel,
        mesh=mesh,
        out_type=jax.ShapeDtypeStruct((R, C), jnp.float32),
        scratch_types=[
            pltpu.VMEM((NCH, CH), jnp.int32),
            pltpu.VMEM((CH, C), jnp.float32),
            pltpu.VMEM((CH, C), jnp.float32),
            pltpu.VMEM((CH, C), jnp.int32),
            pltpu.SemaphoreType.DMA,
        ],
    )(_body)
    return k(x_flat, idx_w, mask_i32)


def kernel(x, idx, drop_mask):
    x_flat = x.reshape(R, C)
    idx_w = idx.astype(jnp.int32).reshape(NW, NCH, CH)
    mask_i32 = drop_mask.reshape(R, C).astype(jnp.int32)
    out = _run(x_flat, idx_w, mask_i32)
    return out.reshape(x.shape)

# --- scband reference (transcript-rebuilt; emitter-appended) ---
"""Pipeline reference for scband-shuffle-drop-7026566496871 (READ-ONLY COPY).

The authoritative reference and input builder live on the scoring server;
editing this copy changes nothing except your own understanding.
"""

import jax, jax.numpy as jnp
import numpy as np

P_DROP = 0.1
N, P, C = 4, 8192, 1024

def setup_inputs(seed: int = 0) -> dict:
    key = jax.random.key(seed)
    k_x, k_idx, k_mask = jax.random.split(key, 3)
    x = jax.random.normal(k_x, (N, P, C), dtype=jnp.float32)
    # torch.randperm(N*P) -> random permutation of flattened token indices
    idx = jax.random.permutation(k_idx, N * P).astype(jnp.int64)
    # torch.bernoulli(ones_like(x) * p).bool() -> elementwise Bernoulli(p) mask
    drop_mask = jax.random.uniform(k_mask, (N, P, C)) < P_DROP
    return {"x": x, "idx": idx, "drop_mask": drop_mask}

def reference(x, idx, drop_mask):
    # shuffle_x = x.reshape(-1, C)[idx, :].view(x.size()).detach()
    Cd = x.shape[-1]
    shuffle_x = jax.lax.stop_gradient(x.reshape(-1, Cd)[idx, :].reshape(x.shape))
    # x[drop_mask] = shuffle_x[drop_mask]  (elementwise scatter-overwrite by boolean mask)
    out = jnp.where(drop_mask, shuffle_x, x)
    return out

if __name__ == "__main__":
    import jax
    _d = setup_inputs()
    print(jax.jit(kernel)(*tuple(_d.values())))

</pallas_src>

<mosaic_0001>
#map = affine_map<(d0, d1) -> (0, 0)>
#map1 = affine_map<(d0, d1) -> (0, 0, 0)>
module attributes {stable_mosaic.version = 14 : i64} {
  func.func @_body(%arg0: i32, %arg1: i32, %arg2: memref<32768x1024xf32, #tpu.memory_space<hbm>>, %arg3: memref<32x64x16xi32, #tpu.memory_space<hbm>>, %arg4: memref<32768x1024xi32, #tpu.memory_space<hbm>>, %arg5: memref<32768x1024xf32, #tpu.memory_space<hbm>>, %arg6: memref<64x16xi32, #tpu.memory_space<vmem>>, %arg7: memref<16x1024xf32, #tpu.memory_space<vmem>>, %arg8: memref<16x1024xf32, #tpu.memory_space<vmem>>, %arg9: memref<16x1024xi32, #tpu.memory_space<vmem>>, %arg10: memref<!tpu.dma_semaphore, #tpu.memory_space<semaphore_mem>>) attributes {dimension_semantics = [#tpu.dimension_semantics<core_parallel>, #tpu.dimension_semantics<subcore_parallel>], iteration_bounds = array<i64: 2, 16>, scalar_prefetch = 0 : i64, scratch_operands = 5 : i64, tpu.core_type = #tpu.core_type<sc_vector_subcore>, window_params = [{transform_indices = #map}, {transform_indices = #map1}, {transform_indices = #map}, {transform_indices = #map}]} {
    %mul3A = arith.constant 2 : i32
    %mul3A_0 = arith.muli %arg1, %mul3A : i32
    %add3A = arith.addi %mul3A_0, %arg0 : i32
    "tpu.region"() ({
      %run_scoped3A = tpu.sem_alloc : memref<!tpu.dma_semaphore, #tpu.memory_space<semaphore_mem>>
      %dma_start3A = arith.constant 0 : i32
      %dma_start3A_7 = arith.constant 0 : i32
      %dma_start3A_8 = tpu.memref_slice %arg3[%add3A, %dma_start3A, %dma_start3A_7] : memref<32x64x16xi32, #tpu.memory_space<hbm>> -> memref<1x64x16xi32, #tpu.memory_space<hbm>>
      %dma_start3A_9 = tpu.memref_squeeze %dma_start3A_8 : memref<1x64x16xi32, #tpu.memory_space<hbm>> -> memref<64x16xi32, #tpu.memory_space<hbm>>
      %dma_start3A_10 = arith.constant 0 : i32
      %dma_start3A_11 = arith.constant 0 : i32
      %dma_start3A_12 = tpu.memref_slice %arg3[%add3A, %dma_start3A_10, %dma_start3A_11] : memref<32x64x16xi32, #tpu.memory_space<hbm>> -> memref<1x64x16xi32, #tpu.memory_space<hbm>>
      %dma_start3A_13 = tpu.memref_squeeze %dma_start3A_12 : memref<1x64x16xi32, #tpu.memory_space<hbm>> -> memref<64x16xi32, #tpu.memory_space<hbm>>
      tpu.enqueue_dma source(%dma_start3A_13 : memref<64x16xi32, #tpu.memory_space<hbm>>) target(%arg6 : memref<64x16xi32, #tpu.memory_space<vmem>>) target_semaphore(%run_scoped3A : memref<!tpu.dma_semaphore, #tpu.memory_space<semaphore_mem>>)
      %dma_wait3A = arith.constant 0 : i32
      %dma_wait3A_14 = arith.constant 0 : i32
      %dma_wait3A_15 = tpu.memref_slice %arg3[%add3A, %dma_wait3A, %dma_wait3A_14] : memref<32x64x16xi32, #tpu.memory_space<hbm>> -> memref<1x64x16xi32, #tpu.memory_space<hbm>>
      %dma_wait3A_16 = tpu.memref_squeeze %dma_wait3A_15 : memref<1x64x16xi32, #tpu.memory_space<hbm>> -> memref<64x16xi32, #tpu.memory_space<hbm>>
      %dma_wait3A_17 = arith.constant 0 : i32
      %dma_wait3A_18 = arith.constant 0 : i32
      %dma_wait3A_19 = tpu.memref_slice %arg3[%add3A, %dma_wait3A_17, %dma_wait3A_18] : memref<32x64x16xi32, #tpu.memory_space<hbm>> -> memref<1x64x16xi32, #tpu.memory_space<hbm>>
      %dma_wait3A_20 = tpu.memref_squeeze %dma_wait3A_19 : memref<1x64x16xi32, #tpu.memory_space<hbm>> -> memref<64x16xi32, #tpu.memory_space<hbm>>
      tpu.wait_dma2 semaphore(%run_scoped3A : memref<!tpu.dma_semaphore, #tpu.memory_space<semaphore_mem>>) src(%dma_wait3A_20 : memref<64x16xi32, #tpu.memory_space<hbm>>) dst(%arg6 : memref<64x16xi32, #tpu.memory_space<vmem>>)
      tpu.yield
    }) : () -> ()
    %scan3A = arith.constant 0 : i32
    %scan3A_1 = arith.constant 0 : i32
    %scan3A_2 = arith.constant 64 : i32
    %scan3A_3 = arith.addi %scan3A_1, %scan3A_2 : i32
    %scan3A_4 = arith.constant 1 : i32
    %scan3A_5 = scf.for %scan3A_7 = %scan3A_1 to %scan3A_3 step %scan3A_4 iter_args(%scan3A_8 = %scan3A) -> (i32)  : i32 {
      %mul3A_9 = arith.constant 1024 : i32
      %mul3A_10 = arith.muli %add3A, %mul3A_9 : i32
      %mul3A_11 = arith.constant 16 : i32
      %mul3A_12 = arith.muli %scan3A_7, %mul3A_11 : i32
      %add3A_13 = arith.addi %mul3A_10, %mul3A_12 : i32
      %dma_start3A = arith.constant 0 : i32
      %dma_start3A_14 = tpu.memref_slice %arg6[%scan3A_7, %dma_start3A] : memref<64x16xi32, #tpu.memory_space<vmem>> -> memref<1x16xi32, #tpu.memory_space<vmem>>
      %dma_start3A_15 = tpu.memref_squeeze %dma_start3A_14 : memref<1x16xi32, #tpu.memory_space<vmem>> -> memref<16xi32, #tpu.memory_space<vmem>>
      %dma_start3A_16 = arith.constant 0 : i32
      %dma_start3A_17 = arith.constant 0 : i32
      %dma_start3A_18 = tpu.memref_slice %arg2[%dma_start3A_16, %dma_start3A_17] : memref<32768x1024xf32, #tpu.memory_space<hbm>> -> memref<32768x1024xf32, #tpu.memory_space<hbm>>
      tpu.enqueue_indirect_dma source(%dma_start3A_18 : memref<32768x1024xf32, #tpu.memory_space<hbm>>) target(%arg7 : memref<16x1024xf32, #tpu.memory_space<vmem>>) offsets(%dma_start3A_15 : memref<16xi32, #tpu.memory_space<vmem>>) semaphore(%arg10 : memref<!tpu.dma_semaphore, #tpu.memory_space<semaphore_mem>>)
      "tpu.region"() ({
        %run_scoped3A = tpu.sem_alloc : memref<!tpu.dma_semaphore, #tpu.memory_space<semaphore_mem>>
        %dma_start3A_32 = arith.constant 0 : i32
        %dma_start3A_33 = tpu.memref_slice %arg2[%add3A_13, %dma_start3A_32] : memref<32768x1024xf32, #tpu.memory_space<hbm>> -> memref<16x1024xf32, #tpu.memory_space<hbm>>
        %dma_start3A_34 = arith.constant 0 : i32
        %dma_start3A_35 = tpu.memref_slice %arg2[%add3A_13, %dma_start3A_34] : memref<32768x1024xf32, #tpu.memory_space<hbm>> -> memref<16x1024xf32, #tpu.memory_space<hbm>>
        tpu.enqueue_dma source(%dma_start3A_35 : memref<16x1024xf32, #tpu.memory_space<hbm>>) target(%arg8 : memref<16x1024xf32, #tpu.memory_space<vmem>>) target_semaphore(%run_scoped3A : memref<!tpu.dma_semaphore, #tpu.memory_space<semaphore_mem>>)
        %dma_wait3A_36 = arith.constant 0 : i32
        %dma_wait3A_37 = tpu.memref_slice %arg2[%add3A_13, %dma_wait3A_36] : memref<32768x1024xf32, #tpu.memory_space<hbm>> -> memref<16x1024xf32, #tpu.memory_space<hbm>>
        %dma_wait3A_38 = arith.constant 0 : i32
        %dma_wait3A_39 = tpu.memref_slice %arg2[%add3A_13, %dma_wait3A_38] : memref<32768x1024xf32, #tpu.memory_space<hbm>> -> memref<16x1024xf32, #tpu.memory_space<hbm>>
        tpu.wait_dma2 semaphore(%run_scoped3A : memref<!tpu.dma_semaphore, #tpu.memory_space<semaphore_mem>>) src(%dma_wait3A_39 : memref<16x1024xf32, #tpu.memory_space<hbm>>) dst(%arg8 : memref<16x1024xf32, #tpu.memory_space<vmem>>)
        tpu.yield
      }) : () -> ()
      "tpu.region"() ({
        %run_scoped3A = tpu.sem_alloc : memref<!tpu.dma_semaphore, #tpu.memory_space<semaphore_mem>>
        %dma_start3A_32 = arith.constant 0 : i32
        %dma_start3A_33 = tpu.memref_slice %arg4[%add3A_13, %dma_start3A_32] : memref<32768x1024xi32, #tpu.memory_space<hbm>> -> memref<16x1024xi32, #tpu.memory_space<hbm>>
        %dma_start3A_34 = arith.constant 0 : i32
        %dma_start3A_35 = tpu.memref_slice %arg4[%add3A_13, %dma_start3A_34] : memref<32768x1024xi32, #tpu.memory_space<hbm>> -> memref<16x1024xi32, #tpu.memory_space<hbm>>
        tpu.enqueue_dma source(%dma_start3A_35 : memref<16x1024xi32, #tpu.memory_space<hbm>>) target(%arg9 : memref<16x1024xi32, #tpu.memory_space<vmem>>) target_semaphore(%run_scoped3A : memref<!tpu.dma_semaphore, #tpu.memory_space<semaphore_mem>>)
        %dma_wait3A_36 = arith.constant 0 : i32
        %dma_wait3A_37 = tpu.memref_slice %arg4[%add3A_13, %dma_wait3A_36] : memref<32768x1024xi32, #tpu.memory_space<hbm>> -> memref<16x1024xi32, #tpu.memory_space<hbm>>
        %dma_wait3A_38 = arith.constant 0 : i32
        %dma_wait3A_39 = tpu.memref_slice %arg4[%add3A_13, %dma_wait3A_38] : memref<32768x1024xi32, #tpu.memory_space<hbm>> -> memref<16x1024xi32, #tpu.memory_space<hbm>>
        tpu.wait_dma2 semaphore(%run_scoped3A : memref<!tpu.dma_semaphore, #tpu.memory_space<semaphore_mem>>) src(%dma_wait3A_39 : memref<16x1024xi32, #tpu.memory_space<hbm>>) dst(%arg9 : memref<16x1024xi32, #tpu.memory_space<vmem>>)
        tpu.yield
      }) : () -> ()
      %dma_wait3A = arith.constant 0 : i32
      %dma_wait3A_19 = tpu.memref_slice %arg6[%scan3A_7, %dma_wait3A] : memref<64x16xi32, #tpu.memory_space<vmem>> -> memref<1x16xi32, #tpu.memory_space<vmem>>
      %dma_wait3A_20 = tpu.memref_squeeze %dma_wait3A_19 : memref<1x16xi32, #tpu.memory_space<vmem>> -> memref<16xi32, #tpu.memory_space<vmem>>
      %dma_wait3A_21 = arith.constant 0 : i32
      %dma_wait3A_22 = arith.constant 0 : i32
      %dma_wait3A_23 = tpu.memref_slice %arg2[%dma_wait3A_21, %dma_wait3A_22] : memref<32768x1024xf32, #tpu.memory_space<hbm>> -> memref<32768x1024xf32, #tpu.memory_space<hbm>>
      tpu.wait_indirect_dma semaphore(%arg10 : memref<!tpu.dma_semaphore, #tpu.memory_space<semaphore_mem>>) src(%dma_wait3A_23 : memref<32768x1024xf32, #tpu.memory_space<hbm>>) dst(%arg7 : memref<16x1024xf32, #tpu.memory_space<vmem>>)
      %scan3A_24 = arith.constant 0 : i32
      %scan3A_25 = arith.constant 0 : i32
      %scan3A_26 = arith.constant 16 : i32
      %scan3A_27 = arith.addi %scan3A_25, %scan3A_26 : i32
      %scan3A_28 = arith.constant 1 : i32
      %scan3A_29 = scf.for %scan3A_32 = %scan3A_25 to %scan3A_27 step %scan3A_28 iter_args(%scan3A_33 = %scan3A_24) -> (i32)  : i32 {
        %scan3A_34 = arith.constant 0 : i32
        %scan3A_35 = arith.constant 0 : i32
        %scan3A_36 = arith.constant 64 : i32
        %scan3A_37 = arith.addi %scan3A_35, %scan3A_36 : i32
        %scan3A_38 = arith.constant 1 : i32
        %scan3A_39 = scf.for %scan3A_41 = %scan3A_35 to %scan3A_37 step %scan3A_38 iter_args(%scan3A_42 = %scan3A_34) -> (i32)  : i32 {
          %mul3A_43 = arith.constant 16 : i32
          %mul3A_44 = arith.muli %scan3A_41, %mul3A_43 : i32
          %get3A = arith.index_cast %scan3A_32 : i32 to index
          %get3A_45 = arith.index_cast %mul3A_44 : i32 to index
          %get3A_46 = tpu.vector_load %arg9[%get3A, %get3A_45] {strides = array<i32>} : memref<16x1024xi32, #tpu.memory_space<vmem>>, vector<1x16xi32>,
          %get3A_47 = vector.shape_cast %get3A_46 : vector<1x16xi32> to vector<16xi32>
          %get3A_48 = arith.index_cast %scan3A_32 : i32 to index
          %get3A_49 = arith.index_cast %mul3A_44 : i32 to index
          %get3A_50 = tpu.vector_load %arg7[%get3A_48, %get3A_49] {strides = array<i32>} : memref<16x1024xf32, #tpu.memory_space<vmem>>, vector<1x16xf32>,
          %get3A_51 = vector.shape_cast %get3A_50 : vector<1x16xf32> to vector<16xf32>
          %get3A_52 = arith.index_cast %scan3A_32 : i32 to index
          %get3A_53 = arith.index_cast %mul3A_44 : i32 to index
          %get3A_54 = tpu.vector_load %arg8[%get3A_52, %get3A_53] {strides = array<i32>} : memref<16x1024xf32, #tpu.memory_space<vmem>>, vector<1x16xf32>,
          %get3A_55 = vector.shape_cast %get3A_54 : vector<1x16xf32> to vector<16xf32>
          %ne3A = arith.constant 0 : i32
          %ne3A_56 = vector.broadcast %ne3A : i32 to vector<16xi32>
          %ne3A_57 = arith.cmpi ne, %get3A_47, %ne3A_56 : vector<16xi32>
          %select_n3A = arith.select %ne3A_57, %get3A_51, %get3A_55 : vector<16xi1>, vector<16xf32>
          %swap3A = arith.index_cast %scan3A_32 : i32 to index
          %swap3A_58 = arith.index_cast %mul3A_44 : i32 to index
          %swap3A_59 = tpu.vector_load %arg8[%swap3A, %swap3A_58] {strides = array<i32>} : memref<16x1024xf32, #tpu.memory_space<vmem>>, vector<1x16xf32>,
          %swap3A_60 = vector.shape_cast %swap3A_59 : vector<1x16xf32> to vector<16xf32>
          %swap3A_61 = vector.shape_cast %select_n3A : vector<16xf32> to vector<1x16xf32>
          tpu.vector_store %arg8[%swap3A, %swap3A_58], %swap3A_61 {strides = array<i32>} : memref<16x1024xf32, #tpu.memory_space<vmem>>, vector<1x16xf32>,
          %scan3A_62 = arith.constant 0 : i32
          scf.yield %scan3A_62 : i32
        }
        %scan3A_40 = arith.constant 64 : i32
        scf.yield %scan3A_39 : i32
      }
      %scan3A_30 = arith.constant 16 : i32
      "tpu.region"() ({
        %run_scoped3A = tpu.sem_alloc : memref<!tpu.dma_semaphore, #tpu.memory_space<semaphore_mem>>
        %dma_start3A_32 = arith.constant 0 : i32
        %dma_start3A_33 = tpu.memref_slice %arg5[%add3A_13, %dma_start3A_32] : memref<32768x1024xf32, #tpu.memory_space<hbm>> -> memref<16x1024xf32, #tpu.memory_space<hbm>>
        %dma_start3A_34 = arith.constant 0 : i32
        %dma_start3A_35 = tpu.memref_slice %arg5[%add3A_13, %dma_start3A_34] : memref<32768x1024xf32, #tpu.memory_space<hbm>> -> memref<16x1024xf32, #tpu.memory_space<hbm>>
        tpu.enqueue_dma source(%arg8 : memref<16x1024xf32, #tpu.memory_space<vmem>>) target(%dma_start3A_35 : memref<16x1024xf32, #tpu.memory_space<hbm>>) target_semaphore(%run_scoped3A : memref<!tpu.dma_semaphore, #tpu.memory_space<semaphore_mem>>)
        %dma_wait3A_36 = arith.constant 0 : i32
        %dma_wait3A_37 = tpu.memref_slice %arg5[%add3A_13, %dma_wait3A_36] : memref<32768x1024xf32, #tpu.memory_space<hbm>> -> memref<16x1024xf32, #tpu.memory_space<hbm>>
        %dma_wait3A_38 = arith.constant 0 : i32
        %dma_wait3A_39 = tpu.memref_slice %arg5[%add3A_13, %dma_wait3A_38] : memref<32768x1024xf32, #tpu.memory_space<hbm>> -> memref<16x1024xf32, #tpu.memory_space<hbm>>
        tpu.wait_dma2 semaphore(%run_scoped3A : memref<!tpu.dma_semaphore, #tpu.memory_space<semaphore_mem>>) src(%arg8 : memref<16x1024xf32, #tpu.memory_space<vmem>>) dst(%dma_wait3A_39 : memref<16x1024xf32, #tpu.memory_space<hbm>>)
        tpu.yield
      }) : () -> ()
      %scan3A_31 = arith.constant 0 : i32
      scf.yield %scan3A_31 : i32
    }
    %scan3A_6 = arith.constant 64 : i32
    return
  }
}

</mosaic_0001>

<sc_bundles>
// kernel: _run.3.cloned.1.call-start
scs
__scs_entry_jumppad:
0x0: {  	(pc) =	sbr.rel $0x88, $3  }
0x1: {  	(tag) =	ssettag $0x0;
	lr =	simm.s32 $0x1  }
0x2: {  	[smem:$0x3F9E] =	sst lr;
	_ =	strace $0xD0000000  }
0x3: {  	_ = 	snop  }
0x4: {  	_ = 	snop  }
0x5: {  	_ = 	snop  }
0x6: {  	_ = 	snop  }
0x7: {  	_ = 	snop  }
__scs_overlays_trampoline_lowered:
0x8: {  	[smem:$0x3FAD] =	sst s0  }
0x9: {  	[smem:$0x3FAE] =	sst s1  }
0xa: {  	[smem:$0x3FAF] =	sst s2  }
0xb: {  	[smem:$0x3FB0] =	sst s3  }
0xc: {  	[smem:$0x3FB1] =	sst s4  }
0xd: {  	[smem:$0x3FB2] =	sst s5  }
0xe: {  	[smem:$0x3FB3] =	sst s6  }
0xf: {  	[smem:$0x3FB4] =	sst s7  }
0x10: {  	[smem:$0x3FB5] =	sst s8  }
0x11: {  	[smem:$0x3FB6] =	sst s9;
	s0 =	simm.s32 @!p0 $0x0  }
0x12: {  	s1 =	sld [smem:$0x3F9C];
	s0 =	simm.s32 @p0 $0x1  }
0x13: {  	[smem:$0x3FB7] =	sst s0;
	s0 =	simm.s32 @!p1 $0x0  }
0x14: {  	s2 =	sld [smem:$0x3F9B];
	s0 =	simm.s32 @p1 $0x1  }
0x15: {  	[smem:$0x3FB8] =	sst s0;
	s0 =	simm.s32 @!p2 $0x0  }
0x16: {  	s3 =	sld [smem:$0x3FDB];
	s0 =	simm.s32 @p2 $0x1  }
0x17: {  	s4 =	simm.s32 $0x1BF5;
	[smem:$0x3FBA] =	sst s0  }
0x18: {  	s0 =	sld [smem:$0x3F9D];
	_ =	swait.ge [sflag:s4], $0x0  }
0x19: {  	s7 =	sld [smem:$0x3F9E]  }
0x1a: {  	s8 =	sadd.s32 $0xFFFFE003, lr  }
0x1b: {  	s9 =	sadd.s32 $0xFFFFFEF7, lr;
	s5 =	simm.s32 $0xFFFFFFFF;
	p2 =	slt.u32 s8, $0xFFFFF086  }
0x1c: {  	p1 =	slt.u32 s9, $0xF7A;
	s5 =	simm.s32 @!p2 $0x0  }
0x1d: {  	s5 =	simm.s32 @p1 $0x1;
	p0 =	seq.s32 s7, s2  }
0x1e: {  	s7 =	smul.u32 @!p0 $0xF7A, s2;
	p2 =	seq.s32 @!p0 s5, $0x0  }
0x1f: {  	s9 =	smul.u32 $0xF7A, s1;
	s8 =	simm.s32 @!p0 $0x1BF5;
	p2 =	por !p2, p0  }
0x20: {  	[sflag:s8] =	ssyncset.s32 @!p0 $0xFFFFF086;
	s6 =	sadd.s32 @!p0 s3, s7;
	s7 =	simm.s32 @!p0 $0x108  }
0x21: {  	s3 =	sadd.s32 s3, s9;
	s6 =	sadd.s32 @!p0 $0x88, s6;
	s7 =	simm.s32 @p2 $0x1082  }
0x22: {  	[simem:s7], [sflag:s8] =	dma.local @!p0 [hbm:s6], $0xF7A  }
0x23: {  	s9 =	sor.u32 $0xD0000000, s2;
	s6 =	simm.s32 $0x108;
	_ =	swait.ge @!p0 [sflag:s8], $0x0  }
0x24: {  	s3 =	sadd.s32 $0x88, s3;
	s6 =	simm.s32 @!p1 $0x1082;
	[sflag:s4] =	ssyncset.s32 $0xFFFFF086  }
0x25: {  	[simem:s6], [sflag:s4] =	dma.local [hbm:s3], $0xF7A  }
0x26: {  	[smem:$0x3F9E] =	sst s1;
	(tag) =	ssettag s2;
	_ =	strace s9  }
0x27: {  	s1 =	sld [smem:$0x3FAE]  }
0x28: {  	s2 =	sld [smem:$0x3FAF]  }
0x29: {  	s4 =	sld [smem:$0x3FB1]  }
0x2a: {  	p0 =	seq.s32 s5, $0x0;
	s5 =	sld [smem:$0x3FB2]  }
0x2b: {  	s6 =	sld [smem:$0x3FB3]  }
0x2c: {  	s7 =	sld [smem:$0x3FB4]  }
0x2d: {  	s3 =	simm.s32 $0x108;
	s8 =	sld [smem:$0x3FB5]  }
0x2e: {  	s3 =	simm.s32 @!p0 $0x1082;
	s9 =	sld [smem:$0x3FB6]  }
0x2f: {  	lr =	sadd.s32 s0, s3;
	s0 =	sld [smem:$0x3FAD]  }
0x30: {  	s3 =	sld [smem:$0x3FB0]  }
0x31: {  	[smem:$0x3FB9] =	sst s10  }
0x32: {  	s10 =	sld [smem:$0x3FB7];
	_ =	sdelay $0x3  }
0x33: {  	p0 =	seq.s32 s10, $0x1;
	s10 =	sld [smem:$0x3FB9];
	_ =	sdelay $0x3  }
0x34: {  	[smem:$0x3FB9] =	sst s10  }
0x35: {  	s10 =	sld [smem:$0x3FB8];
	_ =	sdelay $0x3  }
0x36: {  	p1 =	seq.s32 s10, $0x1;
	s10 =	sld [smem:$0x3FB9];
	_ =	sdelay $0x3  }
0x37: {  	[smem:$0x3FB9] =	sst s10  }
0x38: {  	s10 =	sld [smem:$0x3FBA]  }
0x39: {  	_ = 	snop;
	(pc) =	sbr.ind lr, $3  }
0x3a: {  	_ = 	snop  }
0x3b: {  	_ = 	snop  }
0x3c: {  	p2 =	seq.s32 s10, $0x1;
	s10 =	sld [smem:$0x3FB9]  }
0x3d: {  	_ =	shalt  }
0x3e: {  	_ =	shalt  }
0x3f: {  	_ =	shalt  }
0x40: {  	_ =	shalt  }
0x41: {  	_ =	shalt  }
0x42: {  	_ =	shalt  }
0x43: {  	_ =	shalt  }
0x44: {  	_ =	shalt  }
0x45: {  	_ =	shalt  }
0x46: {  	_ =	shalt  }
0x47: {  	_ =	shalt  }
0x48: {  	_ =	shalt  }
0x49: {  	_ =	shalt  }
0x4a: {  	_ =	shalt  }
0x4b: {  	_ =	shalt  }
0x4c: {  	_ =	shalt  }
0x4d: {  	_ =	shalt  }
0x4e: {  	_ =	shalt  }
0x4f: {  	_ =	shalt  }
0x50: {  	_ =	shalt  }
0x51: {  	_ =	shalt  }
0x52: {  	_ =	shalt  }
0x53: {  	_ =	shalt  }
0x54: {  	_ =	shalt  }
0x55: {  	_ =	shalt  }
0x56: {  	_ =	shalt  }
0x57: {  	_ =	shalt  }
0x58: {  	_ =	shalt  }
0x59: {  	_ =	shalt  }
0x5a: {  	_ =	shalt  }
0x5b: {  	_ =	shalt  }
0x5c: {  	_ =	shalt  }
0x5d: {  	_ =	shalt  }
0x5e: {  	_ =	shalt  }
0x5f: {  	_ =	shalt  }
0x60: {  	_ =	shalt  }
0x61: {  	_ =	shalt  }
0x62: {  	_ =	shalt  }
0x63: {  	_ =	shalt  }
0x64: {  	_ =	shalt  }
0x65: {  	_ =	shalt  }
0x66: {  	_ =	shalt  }
0x67: {  	_ =	shalt  }
0x68: {  	_ =	shalt  }
0x69: {  	_ =	shalt  }
0x6a: {  	_ =	shalt  }
0x6b: {  	_ =	shalt  }
0x6c: {  	_ =	shalt  }
0x6d: {  	_ =	shalt  }
0x6e: {  	_ =	shalt  }
0x6f: {  	_ =	shalt  }
0x70: {  	_ =	shalt  }
0x71: {  	_ =	shalt  }
0x72: {  	_ =	shalt  }
0x73: {  	_ =	shalt  }
0x74: {  	_ =	shalt  }
0x75: {  	_ =	shalt  }
0x76: {  	_ =	shalt  }
0x77: {  	_ =	shalt  }
0x78: {  	_ =	shalt  }
0x79: {  	_ =	shalt  }
0x7a: {  	_ =	shalt  }
0x7b: {  	_ =	shalt  }
0x7c: {  	_ =	shalt  }
0x7d: {  	_ =	shalt  }
0x7e: {  	_ =	shalt  }
0x7f: {  	_ =	shalt  }
0x80: {  	_ =	shalt  }
0x81: {  	_ =	shalt  }
0x82: {  	_ =	shalt  }
0x83: {  	_ =	shalt  }
0x84: {  	_ =	shalt  }
0x85: {  	_ =	shalt  }
0x86: {  	_ =	shalt  }
0x87: {  	_ =	shalt  }
.Lfunc_end0:
.L_simem_size_0:
called_computation_lowered:
.L_overlay_start_0:
0x88: {  	s2 =	sld [smem:$0x3FD9]  }
0x89: {  	s3 =	sld [smem:$0x3FFE];
	_ =	sdelay $0x1  }
0x8a: {  	s1 =	srdreg.scid  }
0x8b: {  	s0 =	sand.u32 $0x1, s1  }
0x8c: {  	s17 =	sshll.u32 s0, $0xA;
	s2 =	sadd.s32 s3, s2  }
0x8d: {  	s2 =	sadd.s32 s2, s17  }
0x8e: {  	[smem:$0x3FC5] =	sst s2  }
0x8f: {  	_ = 	snop  }
0x90: {  	s2 =	sld [smem:$0x3FC9]  }
0x91: {  	s18 =	sld [smem:$0x3FC7]  }
0x92: {  	s4 =	sld [smem:$0x3FD0];
	(tm) =	ssettm $0x1  }
0x93: {  	s5 =	sld [smem:$0x3FFB];
	_ =	sdelay $0x3  }
0x94: {  	_ =	strace s5  }
0x95: {  	s5 =	sld [smem:$0x3FFC];
	_ =	sdelay $0x3  }
0x96: {  	_ =	strace s5  }
0x97: {  	s5 =	sld [smem:$0x3FFD];
	_ =	sdelay $0x3  }
0x98: {  	_ =	strace s5  }
0x99: {  	_ =	strace $0x8FFFFFFF  }
0x9a: {  	s19 =	sld [smem:$0x3FDB];
	_ =	sdelay $0x1  }
0x9b: {  	s6 =	simm.s32 $_scs_section_size  }
0x9c: {  	s7 =	simm.s32 $_size__tile_overlayer_lowered;
	s8 =	simm.s32 $_tile_overlayer_lowered  }
0x9d: {  	s22 =	simm.s32 $0x1BFF;
	s21 =	sshll.u32 s8, $0x1;
	s5 =	sadd.s32 s6, s19  }
0x9e: {  	s9 =	simm.s32 $0x0;
	s20 =	sshll.u32 s7, $0x1;
	s7 =	sadd.s32 s21, s5  }
0x9f: {  	[timem:s9], [sflag:s22] =	dma.local [hbm:s7], s20  }
0xa0: {  	_ =	swait.ge [sflag:s22], s20  }
0xa1: {  	s6 =	ssub.s32 $0x0, s20;
	[sflag:s22] =	ssyncset.done $0x0  }
0xa2: {  	[sflag:s22] =	ssyncadd.s32 s6;
	_ =	sdelay $0x1  }
0xa3: {  	s23 =	simm.s32 $0x1B8B  }
0xa4: {  	_ =	swait.ge [sflag:s23], $0x1  }
0xa5: {  	[sflag:s23] =	ssyncset.done $0x0  }
0xa6: {  	s25 =	simm.s32 $0x1B8E;
	s24 =	sld [smem:$0x3FFE];
	[sflag:s23] =	ssyncadd.s32 $0xFFFFFFFF  }
0xa7: {  	s26 =	simm.s32 $execute0_lowered;
	[smem:$0x3FD2] =	sst s25  }
0xa8: {  	s7 =	sshll.u32 s26, $0x1;
	_ =	strace $0x80000046;
	[dreg:$0x1] =	wrdreg $0xFFFFFFFF  }
0xa9: {  	s28 =	simm.s32 $_size_execute0_lowered;
	s5 =	sadd.s32 s5, s7;
	[dreg:$0x0] =	wrdreg $0x0  }
0xaa: {  	s7 =	sshll.u32 s28, $0x1;
	[dreg:$0x2] =	wrdreg s5  }
0xab: {  	[dreg:$0x3] =	wrdreg s7  }
0xac: {  	[dreg:$0x4] =	wrdreg $0xC0  }
0xad: {  	_ =	task [dreg:s9], $0x5FFFF  }
0xae: {  	[dreg:$0x1] =	wrdreg $0xFFFFFFFF  }
0xaf: {  	[dreg:$0x0] =	wrdreg $0x60  }
0xb0: {  	[dreg:$0x2] =	wrdreg s2  }
0xb1: {  	[dreg:$0x3] =	wrdreg s24  }
0xb2: {  	[dreg:$0x4] =	wrdreg s18  }
0xb3: {  	[dreg:$0x5] =	wrdreg s4  }
0xb4: {  	[dreg:$0x6] =	wrdreg $0x9  }
0xb5: {  	_ =	task.clear_ibuf [dreg:s9], $0x7FFFF;
	_ =	strace $0x90000046  }
0xb6: {  	s29 =	simm.s32 $0x9;
	_ =	strace $0x80000048  }
0xb7: {  	_ =	swait.ge [sflag:s29], $0x1  }
0xb8: {  	[sflag:s29] =	ssyncadd.s32 $0xFFFFFFFF  }
0xb9: {  	_ =	strace $0x90000048  }
0xba: {  	_ =	sfence  }
0xbb: {  	s30 =	sld [smem:$0x0];
	_ =	sdelay $0x2  }
0xbc: {  	s31 =	sshll.u32 s1, $0xD;
	s1 =	sshrl.u32 s1, $0x2  }
0xbd: {  	s3 =	sand.u32 $0x4000, s31;
	s1 =	sadd.s32 s1, s30  }
0xbe: {  	s0 =	sor.u32 s3, s0;
	s1 =	sshll.u32 s1, $0x11  }
0xbf: {  	s0 =	sor.u32 s1, s0  }
0xc0: {  	s0 =	sadd.s32 $0x8F2B, s0  }
0xc1: {  	[sflag:s0] =	ssyncadd.remote.s32 $0x1  }
0xc2: {  	_ =	sfence.sel $0xFFFF  }
0xc3: {  	[dreg:$0x0] =	wrdreg $0xFFFFFFFF;
	(pc) =	sbr.abs _section_cstart, $3  }
0xc4: {  	[dreg:$0x1] =	wrdreg $0xFFFFFFFF  }
0xc5: {  	_ =	task.clear_ibuf [dreg:s9], $0x2FFFF;
	_ =	strace $0x9FFFFFFF  }
0xc6: {  	(tm) =	ssettm $0x7FFFFFFF  }
0xc7: {  	_ =	shalt  }
tec
execute0_lowered:
.L_overlay_start_1:
0x0: {  	(tag) =	ssettag $0x1  }
0x1: {  	s1 =	rddreg [dreg:$0x0]  }
0x2: {  	s0 =	rddreg [dreg:$0x1]  }
0x3: {  	s3 =	rddreg [dreg:$0x2];
	s2 =	srdreg.scid  }
0x4: {  	s5 =	stileid.u32;
	s4 =	rddreg [dreg:$0x3]  }
0x5: {  	s12 =	simm.s32 $0x2;
	s13 =	simm.s32 $0x2000;
	s14 =	simm.s32 $0x2800  }
0x6: {  	s15 =	simm.s32 $0x3000;
	s16 =	simm.s32 $0x3800;
	s17 =	simm.s32 $0x4000  }
0x7: {  	s18 =	simm.s32 $0x4800;
	s19 =	simm.s32 $0x5000;
	s20 =	simm.s32 $0x5800  }
0x8: {  	s21 =	simm.s32 $0x6000;
	s22 =	simm.s32 $0xA000;
	s23 =	simm.s32 $0x1  }
0x9: {  	s24 =	simm.s32 $0x0;
	s2 =	sand.u32 $0x1, s2;
	s5 =	sshll.u32 s5, $0x1  }
0xa: {  	s26 =	simm.s32 $0x0;
	s8 =	sadd.s32 $0x200, s1;
	s6 =	sor.u32 s2, s5  }
0xb: {  	s9 =	sadd.s32 $0x300, s1;
	s2 =	ssub.s32 $0x2, s2;
	s7 =	sshll.u32 s6, $0xA  }
0xc: {  	s5 =	simm.s32 $0x0;
	s30 =	sshrl.u32 s2, $0x1;
	s0 =	sadd.s32 s7, s0  }
0xd: {  	v2 =	vlaneseq.u32;
	[smem:$0x7FF] =	sst s5;
	s2 =	ssub.s32 s2, s30;
	s0 =	sadd.s32 $0x400, s0  }
0xe: {  	vm0 =	vmmov $0xffff;
	v1 =	vshrl.u32 v2, $0x3;
	_ =	strace $0x80000047;
	s31 =	smax.u32 s2, $0x1;
	[dreg:$0x5] =	wrdreg s0  }
0xf: {  	v0 =	vand.u32 $0x7, v2;
	v2 =	vor.u32 $0x8, v2;
	v1 =	vmul.u32 $0x8, v1;
	s10 =	sshll.u32 s6, $0x11;
	s7 =	sadd.s32 $0x100, s1;
	[dreg:$0x6] =	wrdreg s31  }
.LBB2_1:
0x10: {  	s0 =	rddreg [dreg:$0x5]  }
0x11: {  	[tilespmem:s5], [sflag:$0x2] =	stream.linear.gather [hbm4b:s0+s5], $0x2000, $0x38;
	[tilespmem:$0xE000] =	vst v63  }
0x12: {  	_ =	swait.ge [sflag:s12], $0x2000  }
0x13: {  	[sflag:s12] =	ssyncset.done $0x0  }
0x14: {  	s25 =	simm.s32 $0x0;
	[sflag:s12] =	ssyncadd.s32 $0xFFFFE000  }
.LBB2_2:
0x15: {  	s0 =	sshll.u32 s25, $0x7  }
0x16: {  	s0 =	sand.u32 $0x3FFFFF80, s0  }
0x17: {  	v3 =	vld [tilespmem:s0+$0x0];
	_ =	sdelay $0x4  }
0x18: {  	v4 =	vshll.u32 v3, $0x3  }
0x19: {  	v3 =	vand.u32 $0x7, v3;
	v4 =	vand.u32 $0xFFFFFFC0, v4  }
0x1a: {  	v3 =	vor.u32 v3, v4  }
0x1b: {  	v4 =	vperm.xlane v3, v0;
	_ =	sdelay $0x1  }
0x1c: {  	v4 =	vadd.s32 v1, v4;
	_ =	sdelay $0x4  }
0x1d: {  	[tilespmem:s13], [sflag:$0x1] =	stream.indirect_vreg.gather [hbm4b:s1+s26], $0x80, v4, vm0, $0xb8;
	[tilespmem:$0xE000] =	vst v63  }
0x1e: {  	v3 =	vperm.xlane v3, v2  }
0x1f: {  	[tilespmem:s14], [sflag:$0x1] =	stream.indirect_vreg.gather [hbm4b:s7+s26], $0x80, v4, vm0, $0xb8;
	[tilespmem:$0xE000] =	vst v63  }
0x20: {  	v3 =	vadd.s32 v1, v3  }
0x21: {  	[tilespmem:s15], [sflag:$0x1] =	stream.indirect_vreg.gather [hbm4b:s8+s26], $0x80, v4, vm0, $0xb8;
	[tilespmem:$0xE000] =	vst v63  }
0x22: {  	_ = 	snop  }
0x23: {  	[tilespmem:s16], [sflag:$0x1] =	stream.indirect_vreg.gather [hbm4b:s9+s26], $0x80, v4, vm0, $0xb8;
	[tilespmem:$0xE000] =	vst v63  }
0x24: {  	_ = 	snop  }
0x25: {  	[tilespmem:s17], [sflag:$0x1] =	stream.indirect_vreg.gather [hbm4b:s1+s26], $0x80, v3, vm0, $0xb8;
	[tilespmem:$0xE000] =	vst v63  }
0x26: {  	_ = 	snop  }
0x27: {  	[tilespmem:s18], [sflag:$0x1] =	stream.indirect_vreg.gather [hbm4b:s7+s26], $0x80, v3, vm0, $0xb8;
	[tilespmem:$0xE000] =	vst v63  }
0x28: {  	s30 =	sshll.u32 s25, $0xB  }
0x29: {  	[tilespmem:s19], [sflag:$0x1] =	stream.indirect_vreg.gather [hbm4b:s8+s26], $0x80, v3, vm0, $0xb8;
	[tilespmem:$0xE000] =	vst v63  }
0x2a: {  	s28 =	sadd.s32 s10, s30  }
0x2b: {  	[tilespmem:s20], [sflag:$0x1] =	stream.indirect_vreg.gather [hbm4b:s9+s26], $0x80, v3, vm0, $0xb8;
	[tilespmem:$0xE000] =	vst v63  }
0x2c: {  	s0 =	sadd.s32 s1, s28  }
0x2d: {  	[tilespmem:s21], [sflag:$0x2] =	stream.linear.gather [hbm4b:s0+s26], $0x4000, $0x38;
	[tilespmem:$0xE000] =	vst v63  }
0x2e: {  	_ =	swait.ge [sflag:s12], $0x4000  }
0x2f: {  	[sflag:s12] =	ssyncset.done $0x0  }
0x30: {  	s31 =	sadd.s32 s3, s28;
	[sflag:s12] =	ssyncadd.s32 $0xFFFFC000  }
0x31: {  	[tilespmem:s22], [sflag:$0x2] =	stream.linear.gather [hbm4b:s31+s26], $0x4000, $0x38;
	[tilespmem:$0xE000] =	vst v63  }
0x32: {  	_ =	swait.ge [sflag:s12], $0x4000  }
0x33: {  	[sflag:s12] =	ssyncset.done $0x0  }
0x34: {  	[sflag:s12] =	ssyncadd.s32 $0xFFFFC000  }
0x35: {  	_ =	swait.ge [sflag:s23], $0x4000  }
0x36: {  	[sflag:s23] =	ssyncset.done $0x0  }
0x37: {  	s29 =	simm.s32 $0x0;
	[sflag:s23] =	ssyncadd.s32 $0xFFFFC000  }
.LBB2_3:
0x38: {  	s0 =	sshll.u32 s29, $0xA;
	s2 =	sshll.u32 s29, $0x7  }
0x39: {  	s0 =	sand.u32 $0x2000, s0;
	s2 =	sand.u32 $0x380, s2  }
0x3a: {  	s6 =	sand.u32 $0x1C00, s26;
	s31 =	sor.u32 s0, s2  }
0x3b: {  	s11 =	sand.u32 $0x70, s26;
	s0 =	sor.u32 s6, s31  }
0x3c: {  	s30 =	sor.u32 s11, s0  }
0x3d: {  	v3 =	vld [tilespmem:s30+$0x2000]  }
0x3e: {  	v4 =	vld [tilespmem:s30+$0xA000]  }
0x3f: {  	v5 =	vld [tilespmem:s30+$0x6000]  }
0x40: {  	s2 =	simm.s32 $0x80  }
0x41: {  	s6 =	simm.s32 $0x10;
	s11 =	sand.u32 $0x1C00, s2  }
0x42: {  	s6 =	sand.u32 $0x70, s6;
	s0 =	simm.s32 $0x20;
	s11 =	sor.u32 s11, s31  }
.LBB2_4:
0x43: {  	p0 =	sne.s32 s0, $0x3F0;
	s6 =	sor.u32 s6, s11;
	vm1 =	veq.s32 v4, $0x0  }
0x44: {  	v5 =	vsel vm1, v5, v3;
	v3 =	vld [tilespmem:s6+$0x2000]  }
.Ltmp0:
0x45: {  	v4 =	vld [tilespmem:s6+$0xA000];
	[tilespmem:s30+$0x6000] =	vst v5;
	s30 =	smov.u32 s6;
	(pc) =	sbr.rel @p0 .LBB2_4-.Ltmp0, $4  }
0x46: {  	v5 =	vld [tilespmem:s30+$0x6000]  }
0x47: {  	s2 =	sadd.s32 $0x80, s2  }
0x48: {  	s11 =	sand.u32 $0x1C00, s2  }
0x49: {  	s6 =	sand.u32 $0x70, s0;
	s11 =	sor.u32 s11, s31;
	s0 =	sadd.s32 $0x10, s0  }
0x4a: {  	s0 =	sor.u32 s6, s11;
	vm1 =	veq.s32 v4, $0x0  }
0x4b: {  	v62 =	vld [tilespmem:s0+$0x2000];
	v3 =	vsel vm1, v5, v3  }
0x4c: {  	v63 =	vld [tilespmem:s0+$0xA000];
	[tilespmem:s30+$0x6000] =	vst v3  }
0x4d: {  	s29 =	sadd.s32 $0x1, s29;
	v3 =	vld [tilespmem:s0+$0x6000]  }
0x4e: {  	p0 =	sne.s32 s29, $0x10  }
.Ltmp1:
0x4f: {  	_ = 	snop;
	(pc) =	sbr.rel @p0 .LBB2_3-.Ltmp1, $4  }
0x50: {  	_ = 	snop  }
0x51: {  	vm1 =	veq.s32 v63, $0x0  }
0x52: {  	v3 =	vsel vm1, v3, v62  }
0x53: {  	[tilespmem:s0+$0x6000] =	vst v3  }
0x54: {  	s25 =	sadd.s32 $0x1, s25  }
0x55: {  	p0 =	sne.s32 s25, $0x40  }
.Ltmp2:
0x56: {  	s0 =	sadd.s32 s4, s28;
	(pc) =	sbr.rel @p0 .LBB2_2-.Ltmp2, $4  }
0x57: {  	[hbm4b:s0+s5] =	stream.linear.scatter [tilespmem:s21], [sflag:$0x2], $0x4000, $0x38;
	[tilespmem:$0xE000] =	vst v63  }
0x58: {  	_ =	swait.ge [sflag:s12], $0x4000  }
0x59: {  	[sflag:s12] =	ssyncset.done $0x0  }
0x5a: {  	[sflag:s12] =	ssyncadd.s32 $0xFFFFC000  }
0x5b: {  	s24 =	sadd.s32 $0x1, s24;
	s0 =	rddreg [dreg:$0x6]  }
0x5c: {  	p0 =	sne.s32 s24, s0  }
.Ltmp3:
0x5d: {  	_ = 	snop;
	(pc) =	sbr.rel @p0 .LBB2_1-.Ltmp3, $1  }
0x5e: {  	_ =	sdelay $0x3  }
0x5f: {  	_ =	sfence.sel $0x180000  }
0x60: {  	[bflag:$0x0] =	sbarrier.arrive $0xFFFF  }
0x61: {  	_ =	strace $0x90000047  }
0x62: {  	s0 =	stileid.u32;
	[bflag:$0x2] =	sbarrier.arrive $0xFFFF  }
0x63: {  	p0 =	sne.s32 s0, $0x0;
	s0 =	rddreg [dreg:$0x4]  }
0x64: {  	s0 =	sadd.s32 @!p0 $0x100000, s0  }
0x65: {  	[sflag:s0] =	ssyncadd.tile.s32 @!p0 $0x1;
	_ =	shalt  }
.Lfunc_end2:
_tile_overlayer_lowered:
.L_overlay_start_2:
0x66: {  	(tag) =	ssettag $0x2  }
0x67: {  	s0 =	rddreg [dreg:$0x0];
	s2 =	stileid.u32  }
0x68: {  	s1 =	rddreg [dreg:$0x1];
	p0 =	sne.s32 s2, $0x0  }
0x69: {  	s3 =	rddreg [dreg:$0x2];
	[bflag:$0x3] =	sbarrier.arrive $0xFFFF;
	s2 =	simm.s32 @!p0 $0x1C02  }
0x6a: {  	[timem:s3], [sflag:s2] =	dma.local @!p0 [hbm:s0], s1  }
0x6b: {  	s0 =	simm.s32 @!p0 $0x2  }
0x6c: {  	_ =	swait.ge @!p0 [sflag:s0], s1  }
0x6d: {  	s1 =	ssub.s32 @!p0 $0x0, s1;
	[sflag:s0] =	ssyncset.done @!p0 $0x0  }
0x6e: {  	[sflag:s0] =	ssyncadd.s32 @!p0 s1  }
0x6f: {  	[bflag:$0x3] =	sbarrier.arrive $0xFFFF  }
0x70: {  	_ =	shalt  }

</sc_bundles>
